<compile_context>
chip_gen: v7x
topology: tpu7x:2x2x1
jax: 0.10.2.dev20260603
libtpu: 0.0.44.dev20260713+nightly
codegen_flags: <defaults>
</compile_context>

<pallas_src>
import functools

import jax
import jax.numpy as jnp
from jax import lax
from jax.experimental import pallas as pl
from jax.experimental.pallas import tpu as pltpu
from jax.experimental.pallas import tpu_sc as plsc

D = 128
_NC, _NS = 2, 16
_NW = _NC * _NS


@functools.cache
def _make_gather(BATCH: int, H: int, V: int):
    b_per_w = BATCH // _NW
    NB = 4
    n_chunks = b_per_w // NB

    mesh = plsc.VectorSubcoreMesh(core_axis_name="c", subcore_axis_name="s")

    @functools.partial(
        pl.kernel,
        out_type=jax.ShapeDtypeStruct((BATCH, H, D), jnp.float32),
        mesh=mesh,
        scratch_types=[
            pltpu.VMEM((b_per_w, H), jnp.int32),
            pltpu.VMEM((NB, H, D), jnp.float32),
            pltpu.VMEM((NB, H, D), jnp.float32),
            pltpu.SemaphoreType.DMA,
            pltpu.SemaphoreType.DMA,
            pltpu.SemaphoreType.DMA,
            pltpu.SemaphoreType.DMA,
        ],
    )
    def gather_k(idx_hbm, w_hbm, out_hbm, idx_v, rows0, rows1,
                 sg0, sg1, ss0, ss1):
        wid = lax.axis_index("s") * _NC + lax.axis_index("c")
        out_base = wid * b_per_w

        pltpu.sync_copy(idx_hbm.at[pl.ds(out_base, b_per_w)], idx_v)

        rows = (rows0, rows1)
        sg = (sg0, sg1)
        ss = (ss0, ss1)

        def fire_gather(chunk, b):
            for j in range(NB):
                pltpu.async_copy(
                    w_hbm.at[idx_v.at[chunk * NB + j]],
                    rows[b].at[j],
                    sg[b],
                )

        def wait_gather(b):
            pltpu.make_async_copy(out_hbm.at[pl.ds(out_base, NB)],
                                  rows[b], sg[b]).wait()

        def fire_store(chunk, b):
            pltpu.async_copy(rows[b],
                             out_hbm.at[pl.ds(out_base + chunk * NB, NB)],
                             ss[b])

        def wait_store(b):
            pltpu.make_async_copy(rows[b], out_hbm.at[pl.ds(out_base, NB)],
                                  ss[b]).wait()

        fire_gather(0, 0)
        wait_gather(0)
        fire_store(0, 0)
        fire_gather(1, 1)

        def body(p, carry):
            i = 2 + 2 * p
            wait_store(0)
            fire_gather(i, 0)
            wait_gather(1)
            fire_store(i - 1, 1)
            wait_store(1)
            fire_gather(i + 1, 1)
            wait_gather(0)
            fire_store(i, 0)
            return carry

        lax.fori_loop(0, (n_chunks - 2) // 2, body, 0)

        wait_gather(1)
        fire_store(n_chunks - 1, 1)
        wait_store(0)
        wait_store(1)

    return gather_k


def kernel(input_, weight):
    BATCH, H = input_.shape
    return _make_gather(BATCH, H, weight.shape[0])(input_, weight)

# --- scband reference (transcript-rebuilt; emitter-appended) ---
"""Pipeline reference for scband-parallel-vocab-embedding-11922829214190 (READ-ONLY COPY).

The authoritative reference and input builder live on the scoring server;
editing this copy changes nothing except your own understanding.
"""

import jax, jax.numpy as jnp
import numpy as np

VOCAB = 100000
PAD = 64
VOCAB_PADDED = (VOCAB + PAD - 1) // PAD * PAD  # 100032
EMB_DIM = 128
BATCH = 16384
HIST = 50


def setup_inputs(seed: int = 0) -> dict:
    key = jax.random.key(seed)
    k1, k2 = jax.random.split(key)
    input_ = jax.random.randint(k1, (BATCH, HIST), 0, VOCAB, dtype=jnp.int64 if jax.config.jax_enable_x64 else jnp.int32)
    weight = jax.random.normal(k2, (VOCAB_PADDED, EMB_DIM), dtype=jnp.float32) * 0.02
    return {"input_": input_, "weight": weight}


def reference(input_, weight):
    # tp_size == 1 path: plain embedding lookup (gather rows of the table)
    output = jnp.take(weight, input_, axis=0)
    # tensor_model_parallel_all_reduce is identity at world_size == 1
    return output

if __name__ == "__main__":
    import jax
    _d = setup_inputs()
    print(jax.jit(kernel)(*tuple(_d.values())))

</pallas_src>

<mosaic_0001>
#map = affine_map<(d0, d1) -> (0, 0)>
#map1 = affine_map<(d0, d1) -> (0, 0, 0)>
module attributes {stable_mosaic.version = 14 : i64} {
  func.func @gather_k(%arg0: i32, %arg1: i32, %arg2: memref<16384x50xi32, #tpu.memory_space<hbm>>, %arg3: memref<100032x128xf32, #tpu.memory_space<hbm>>, %arg4: memref<16384x50x128xf32, #tpu.memory_space<hbm>>, %arg5: memref<512x50xi32, #tpu.memory_space<vmem>>, %arg6: memref<4x50x128xf32, #tpu.memory_space<vmem>>, %arg7: memref<4x50x128xf32, #tpu.memory_space<vmem>>, %arg8: memref<!tpu.dma_semaphore, #tpu.memory_space<semaphore_mem>>, %arg9: memref<!tpu.dma_semaphore, #tpu.memory_space<semaphore_mem>>, %arg10: memref<!tpu.dma_semaphore, #tpu.memory_space<semaphore_mem>>, %arg11: memref<!tpu.dma_semaphore, #tpu.memory_space<semaphore_mem>>) attributes {dimension_semantics = [#tpu.dimension_semantics<core_parallel>, #tpu.dimension_semantics<subcore_parallel>], iteration_bounds = array<i64: 2, 16>, scalar_prefetch = 0 : i64, scratch_operands = 7 : i64, tpu.core_type = #tpu.core_type<sc_vector_subcore>, window_params = [{transform_indices = #map}, {transform_indices = #map}, {transform_indices = #map1}]} {
    %mul3A = arith.constant 2 : i32
    %mul3A_0 = arith.muli %arg1, %mul3A : i32
    %add3A = arith.addi %mul3A_0, %arg0 : i32
    %mul3A_1 = arith.constant 512 : i32
    %mul3A_2 = arith.muli %add3A, %mul3A_1 : i32
    "tpu.region"() ({
      %run_scoped3A = tpu.sem_alloc : memref<!tpu.dma_semaphore, #tpu.memory_space<semaphore_mem>>
      %dma_start3A_142 = arith.constant 0 : i32
      %dma_start3A_143 = tpu.memref_slice %arg2[%mul3A_2, %dma_start3A_142] : memref<16384x50xi32, #tpu.memory_space<hbm>> -> memref<512x50xi32, #tpu.memory_space<hbm>>
      %dma_start3A_144 = arith.constant 0 : i32
      %dma_start3A_145 = tpu.memref_slice %arg2[%mul3A_2, %dma_start3A_144] : memref<16384x50xi32, #tpu.memory_space<hbm>> -> memref<512x50xi32, #tpu.memory_space<hbm>>
      tpu.enqueue_dma source(%dma_start3A_145 : memref<512x50xi32, #tpu.memory_space<hbm>>) target(%arg5 : memref<512x50xi32, #tpu.memory_space<vmem>>) target_semaphore(%run_scoped3A : memref<!tpu.dma_semaphore, #tpu.memory_space<semaphore_mem>>)
      %dma_wait3A_146 = arith.constant 0 : i32
      %dma_wait3A_147 = tpu.memref_slice %arg2[%mul3A_2, %dma_wait3A_146] : memref<16384x50xi32, #tpu.memory_space<hbm>> -> memref<512x50xi32, #tpu.memory_space<hbm>>
      %dma_wait3A_148 = arith.constant 0 : i32
      %dma_wait3A_149 = tpu.memref_slice %arg2[%mul3A_2, %dma_wait3A_148] : memref<16384x50xi32, #tpu.memory_space<hbm>> -> memref<512x50xi32, #tpu.memory_space<hbm>>
      tpu.wait_dma2 semaphore(%run_scoped3A : memref<!tpu.dma_semaphore, #tpu.memory_space<semaphore_mem>>) src(%dma_wait3A_149 : memref<512x50xi32, #tpu.memory_space<hbm>>) dst(%arg5 : memref<512x50xi32, #tpu.memory_space<vmem>>)
      tpu.yield
    }) : () -> ()
    %dma_start3A = arith.constant 0 : i32
    %dma_start3A_3 = arith.constant 0 : i32
    %dma_start3A_4 = arith.constant 0 : i32
    %dma_start3A_5 = arith.constant 0 : i32
    %dma_start3A_6 = tpu.memref_slice %arg6[%dma_start3A_3, %dma_start3A_4, %dma_start3A_5] : memref<4x50x128xf32, #tpu.memory_space<vmem>> -> memref<1x50x128xf32, #tpu.memory_space<vmem>>
    %dma_start3A_7 = tpu.memref_squeeze %dma_start3A_6 : memref<1x50x128xf32, #tpu.memory_space<vmem>> -> memref<50x128xf32, #tpu.memory_space<vmem>>
    %dma_start3A_8 = arith.constant 0 : i32
    %dma_start3A_9 = tpu.memref_slice %arg5[%dma_start3A, %dma_start3A_8] : memref<512x50xi32, #tpu.memory_space<vmem>> -> memref<1x50xi32, #tpu.memory_space<vmem>>
    %dma_start3A_10 = tpu.memref_squeeze %dma_start3A_9 : memref<1x50xi32, #tpu.memory_space<vmem>> -> memref<50xi32, #tpu.memory_space<vmem>>
    %dma_start3A_11 = arith.constant 0 : i32
    %dma_start3A_12 = arith.constant 0 : i32
    %dma_start3A_13 = tpu.memref_slice %arg3[%dma_start3A_11, %dma_start3A_12] : memref<100032x128xf32, #tpu.memory_space<hbm>> -> memref<100032x128xf32, #tpu.memory_space<hbm>>
    tpu.enqueue_indirect_dma source(%dma_start3A_13 : memref<100032x128xf32, #tpu.memory_space<hbm>>) target(%dma_start3A_7 : memref<50x128xf32, #tpu.memory_space<vmem>>) offsets(%dma_start3A_10 : memref<50xi32, #tpu.memory_space<vmem>>) semaphore(%arg8 : memref<!tpu.dma_semaphore, #tpu.memory_space<semaphore_mem>>)
    %dma_start3A_14 = arith.constant 1 : i32
    %dma_start3A_15 = arith.constant 1 : i32
    %dma_start3A_16 = arith.constant 0 : i32
    %dma_start3A_17 = arith.constant 0 : i32
    %dma_start3A_18 = tpu.memref_slice %arg6[%dma_start3A_15, %dma_start3A_16, %dma_start3A_17] : memref<4x50x128xf32, #tpu.memory_space<vmem>> -> memref<1x50x128xf32, #tpu.memory_space<vmem>>
    %dma_start3A_19 = tpu.memref_squeeze %dma_start3A_18 : memref<1x50x128xf32, #tpu.memory_space<vmem>> -> memref<50x128xf32, #tpu.memory_space<vmem>>
    %dma_start3A_20 = arith.constant 0 : i32
    %dma_start3A_21 = tpu.memref_slice %arg5[%dma_start3A_14, %dma_start3A_20] : memref<512x50xi32, #tpu.memory_space<vmem>> -> memref<1x50xi32, #tpu.memory_space<vmem>>
    %dma_start3A_22 = tpu.memref_squeeze %dma_start3A_21 : memref<1x50xi32, #tpu.memory_space<vmem>> -> memref<50xi32, #tpu.memory_space<vmem>>
    %dma_start3A_23 = arith.constant 0 : i32
    %dma_start3A_24 = arith.constant 0 : i32
    %dma_start3A_25 = tpu.memref_slice %arg3[%dma_start3A_23, %dma_start3A_24] : memref<100032x128xf32, #tpu.memory_space<hbm>> -> memref<100032x128xf32, #tpu.memory_space<hbm>>
    tpu.enqueue_indirect_dma source(%dma_start3A_25 : memref<100032x128xf32, #tpu.memory_space<hbm>>) target(%dma_start3A_19 : memref<50x128xf32, #tpu.memory_space<vmem>>) offsets(%dma_start3A_22 : memref<50xi32, #tpu.memory_space<vmem>>) semaphore(%arg8 : memref<!tpu.dma_semaphore, #tpu.memory_space<semaphore_mem>>)
    %dma_start3A_26 = arith.constant 2 : i32
    %dma_start3A_27 = arith.constant 2 : i32
    %dma_start3A_28 = arith.constant 0 : i32
    %dma_start3A_29 = arith.constant 0 : i32
    %dma_start3A_30 = tpu.memref_slice %arg6[%dma_start3A_27, %dma_start3A_28, %dma_start3A_29] : memref<4x50x128xf32, #tpu.memory_space<vmem>> -> memref<1x50x128xf32, #tpu.memory_space<vmem>>
    %dma_start3A_31 = tpu.memref_squeeze %dma_start3A_30 : memref<1x50x128xf32, #tpu.memory_space<vmem>> -> memref<50x128xf32, #tpu.memory_space<vmem>>
    %dma_start3A_32 = arith.constant 0 : i32
    %dma_start3A_33 = tpu.memref_slice %arg5[%dma_start3A_26, %dma_start3A_32] : memref<512x50xi32, #tpu.memory_space<vmem>> -> memref<1x50xi32, #tpu.memory_space<vmem>>
    %dma_start3A_34 = tpu.memref_squeeze %dma_start3A_33 : memref<1x50xi32, #tpu.memory_space<vmem>> -> memref<50xi32, #tpu.memory_space<vmem>>
    %dma_start3A_35 = arith.constant 0 : i32
    %dma_start3A_36 = arith.constant 0 : i32
    %dma_start3A_37 = tpu.memref_slice %arg3[%dma_start3A_35, %dma_start3A_36] : memref<100032x128xf32, #tpu.memory_space<hbm>> -> memref<100032x128xf32, #tpu.memory_space<hbm>>
    tpu.enqueue_indirect_dma source(%dma_start3A_37 : memref<100032x128xf32, #tpu.memory_space<hbm>>) target(%dma_start3A_31 : memref<50x128xf32, #tpu.memory_space<vmem>>) offsets(%dma_start3A_34 : memref<50xi32, #tpu.memory_space<vmem>>) semaphore(%arg8 : memref<!tpu.dma_semaphore, #tpu.memory_space<semaphore_mem>>)
    %dma_start3A_38 = arith.constant 3 : i32
    %dma_start3A_39 = arith.constant 3 : i32
    %dma_start3A_40 = arith.constant 0 : i32
    %dma_start3A_41 = arith.constant 0 : i32
    %dma_start3A_42 = tpu.memref_slice %arg6[%dma_start3A_39, %dma_start3A_40, %dma_start3A_41] : memref<4x50x128xf32, #tpu.memory_space<vmem>> -> memref<1x50x128xf32, #tpu.memory_space<vmem>>
    %dma_start3A_43 = tpu.memref_squeeze %dma_start3A_42 : memref<1x50x128xf32, #tpu.memory_space<vmem>> -> memref<50x128xf32, #tpu.memory_space<vmem>>
    %dma_start3A_44 = arith.constant 0 : i32
    %dma_start3A_45 = tpu.memref_slice %arg5[%dma_start3A_38, %dma_start3A_44] : memref<512x50xi32, #tpu.memory_space<vmem>> -> memref<1x50xi32, #tpu.memory_space<vmem>>
    %dma_start3A_46 = tpu.memref_squeeze %dma_start3A_45 : memref<1x50xi32, #tpu.memory_space<vmem>> -> memref<50xi32, #tpu.memory_space<vmem>>
    %dma_start3A_47 = arith.constant 0 : i32
    %dma_start3A_48 = arith.constant 0 : i32
    %dma_start3A_49 = tpu.memref_slice %arg3[%dma_start3A_47, %dma_start3A_48] : memref<100032x128xf32, #tpu.memory_space<hbm>> -> memref<100032x128xf32, #tpu.memory_space<hbm>>
    tpu.enqueue_indirect_dma source(%dma_start3A_49 : memref<100032x128xf32, #tpu.memory_space<hbm>>) target(%dma_start3A_43 : memref<50x128xf32, #tpu.memory_space<vmem>>) offsets(%dma_start3A_46 : memref<50xi32, #tpu.memory_space<vmem>>) semaphore(%arg8 : memref<!tpu.dma_semaphore, #tpu.memory_space<semaphore_mem>>)
    %dma_wait3A = arith.constant 0 : i32
    %dma_wait3A_50 = arith.constant 0 : i32
    %dma_wait3A_51 = tpu.memref_slice %arg4[%mul3A_2, %dma_wait3A, %dma_wait3A_50] : memref<16384x50x128xf32, #tpu.memory_space<hbm>> -> memref<4x50x128xf32, #tpu.memory_space<hbm>>
    %dma_wait3A_52 = arith.constant 0 : i32
    %dma_wait3A_53 = arith.constant 0 : i32
    %dma_wait3A_54 = tpu.memref_slice %arg4[%mul3A_2, %dma_wait3A_52, %dma_wait3A_53] : memref<16384x50x128xf32, #tpu.memory_space<hbm>> -> memref<4x50x128xf32, #tpu.memory_space<hbm>>
    tpu.wait_dma2 semaphore(%arg8 : memref<!tpu.dma_semaphore, #tpu.memory_space<semaphore_mem>>) src(%dma_wait3A_54 : memref<4x50x128xf32, #tpu.memory_space<hbm>>) dst(%arg6 : memref<4x50x128xf32, #tpu.memory_space<vmem>>)
    %add3A_55 = arith.constant 0 : i32
    %add3A_56 = arith.addi %mul3A_2, %add3A_55 : i32
    %dma_start3A_57 = arith.constant 0 : i32
    %dma_start3A_58 = arith.constant 0 : i32
    %dma_start3A_59 = tpu.memref_slice %arg4[%add3A_56, %dma_start3A_57, %dma_start3A_58] : memref<16384x50x128xf32, #tpu.memory_space<hbm>> -> memref<4x50x128xf32, #tpu.memory_space<hbm>>
    %dma_start3A_60 = arith.constant 0 : i32
    %dma_start3A_61 = arith.constant 0 : i32
    %dma_start3A_62 = tpu.memref_slice %arg4[%add3A_56, %dma_start3A_60, %dma_start3A_61] : memref<16384x50x128xf32, #tpu.memory_space<hbm>> -> memref<4x50x128xf32, #tpu.memory_space<hbm>>
    tpu.enqueue_dma source(%arg6 : memref<4x50x128xf32, #tpu.memory_space<vmem>>) target(%dma_start3A_62 : memref<4x50x128xf32, #tpu.memory_space<hbm>>) target_semaphore(%arg10 : memref<!tpu.dma_semaphore, #tpu.memory_space<semaphore_mem>>)
    %dma_start3A_63 = arith.constant 4 : i32
    %dma_start3A_64 = arith.constant 0 : i32
    %dma_start3A_65 = arith.constant 0 : i32
    %dma_start3A_66 = arith.constant 0 : i32
    %dma_start3A_67 = tpu.memref_slice %arg7[%dma_start3A_64, %dma_start3A_65, %dma_start3A_66] : memref<4x50x128xf32, #tpu.memory_space<vmem>> -> memref<1x50x128xf32, #tpu.memory_space<vmem>>
    %dma_start3A_68 = tpu.memref_squeeze %dma_start3A_67 : memref<1x50x128xf32, #tpu.memory_space<vmem>> -> memref<50x128xf32, #tpu.memory_space<vmem>>
    %dma_start3A_69 = arith.constant 0 : i32
    %dma_start3A_70 = tpu.memref_slice %arg5[%dma_start3A_63, %dma_start3A_69] : memref<512x50xi32, #tpu.memory_space<vmem>> -> memref<1x50xi32, #tpu.memory_space<vmem>>
    %dma_start3A_71 = tpu.memref_squeeze %dma_start3A_70 : memref<1x50xi32, #tpu.memory_space<vmem>> -> memref<50xi32, #tpu.memory_space<vmem>>
    %dma_start3A_72 = arith.constant 0 : i32
    %dma_start3A_73 = arith.constant 0 : i32
    %dma_start3A_74 = tpu.memref_slice %arg3[%dma_start3A_72, %dma_start3A_73] : memref<100032x128xf32, #tpu.memory_space<hbm>> -> memref<100032x128xf32, #tpu.memory_space<hbm>>
    tpu.enqueue_indirect_dma source(%dma_start3A_74 : memref<100032x128xf32, #tpu.memory_space<hbm>>) target(%dma_start3A_68 : memref<50x128xf32, #tpu.memory_space<vmem>>) offsets(%dma_start3A_71 : memref<50xi32, #tpu.memory_space<vmem>>) semaphore(%arg9 : memref<!tpu.dma_semaphore, #tpu.memory_space<semaphore_mem>>)
    %dma_start3A_75 = arith.constant 5 : i32
    %dma_start3A_76 = arith.constant 1 : i32
    %dma_start3A_77 = arith.constant 0 : i32
    %dma_start3A_78 = arith.constant 0 : i32
    %dma_start3A_79 = tpu.memref_slice %arg7[%dma_start3A_76, %dma_start3A_77, %dma_start3A_78] : memref<4x50x128xf32, #tpu.memory_space<vmem>> -> memref<1x50x128xf32, #tpu.memory_space<vmem>>
    %dma_start3A_80 = tpu.memref_squeeze %dma_start3A_79 : memref<1x50x128xf32, #tpu.memory_space<vmem>> -> memref<50x128xf32, #tpu.memory_space<vmem>>
    %dma_start3A_81 = arith.constant 0 : i32
    %dma_start3A_82 = tpu.memref_slice %arg5[%dma_start3A_75, %dma_start3A_81] : memref<512x50xi32, #tpu.memory_space<vmem>> -> memref<1x50xi32, #tpu.memory_space<vmem>>
    %dma_start3A_83 = tpu.memref_squeeze %dma_start3A_82 : memref<1x50xi32, #tpu.memory_space<vmem>> -> memref<50xi32, #tpu.memory_space<vmem>>
    %dma_start3A_84 = arith.constant 0 : i32
    %dma_start3A_85 = arith.constant 0 : i32
    %dma_start3A_86 = tpu.memref_slice %arg3[%dma_start3A_84, %dma_start3A_85] : memref<100032x128xf32, #tpu.memory_space<hbm>> -> memref<100032x128xf32, #tpu.memory_space<hbm>>
    tpu.enqueue_indirect_dma source(%dma_start3A_86 : memref<100032x128xf32, #tpu.memory_space<hbm>>) target(%dma_start3A_80 : memref<50x128xf32, #tpu.memory_space<vmem>>) offsets(%dma_start3A_83 : memref<50xi32, #tpu.memory_space<vmem>>) semaphore(%arg9 : memref<!tpu.dma_semaphore, #tpu.memory_space<semaphore_mem>>)
    %dma_start3A_87 = arith.constant 6 : i32
    %dma_start3A_88 = arith.constant 2 : i32
    %dma_start3A_89 = arith.constant 0 : i32
    %dma_start3A_90 = arith.constant 0 : i32
    %dma_start3A_91 = tpu.memref_slice %arg7[%dma_start3A_88, %dma_start3A_89, %dma_start3A_90] : memref<4x50x128xf32, #tpu.memory_space<vmem>> -> memref<1x50x128xf32, #tpu.memory_space<vmem>>
    %dma_start3A_92 = tpu.memref_squeeze %dma_start3A_91 : memref<1x50x128xf32, #tpu.memory_space<vmem>> -> memref<50x128xf32, #tpu.memory_space<vmem>>
    %dma_start3A_93 = arith.constant 0 : i32
    %dma_start3A_94 = tpu.memref_slice %arg5[%dma_start3A_87, %dma_start3A_93] : memref<512x50xi32, #tpu.memory_space<vmem>> -> memref<1x50xi32, #tpu.memory_space<vmem>>
    %dma_start3A_95 = tpu.memref_squeeze %dma_start3A_94 : memref<1x50xi32, #tpu.memory_space<vmem>> -> memref<50xi32, #tpu.memory_space<vmem>>
    %dma_start3A_96 = arith.constant 0 : i32
    %dma_start3A_97 = arith.constant 0 : i32
    %dma_start3A_98 = tpu.memref_slice %arg3[%dma_start3A_96, %dma_start3A_97] : memref<100032x128xf32, #tpu.memory_space<hbm>> -> memref<100032x128xf32, #tpu.memory_space<hbm>>
    tpu.enqueue_indirect_dma source(%dma_start3A_98 : memref<100032x128xf32, #tpu.memory_space<hbm>>) target(%dma_start3A_92 : memref<50x128xf32, #tpu.memory_space<vmem>>) offsets(%dma_start3A_95 : memref<50xi32, #tpu.memory_space<vmem>>) semaphore(%arg9 : memref<!tpu.dma_semaphore, #tpu.memory_space<semaphore_mem>>)
    %dma_start3A_99 = arith.constant 7 : i32
    %dma_start3A_100 = arith.constant 3 : i32
    %dma_start3A_101 = arith.constant 0 : i32
    %dma_start3A_102 = arith.constant 0 : i32
    %dma_start3A_103 = tpu.memref_slice %arg7[%dma_start3A_100, %dma_start3A_101, %dma_start3A_102] : memref<4x50x128xf32, #tpu.memory_space<vmem>> -> memref<1x50x128xf32, #tpu.memory_space<vmem>>
    %dma_start3A_104 = tpu.memref_squeeze %dma_start3A_103 : memref<1x50x128xf32, #tpu.memory_space<vmem>> -> memref<50x128xf32, #tpu.memory_space<vmem>>
    %dma_start3A_105 = arith.constant 0 : i32
    %dma_start3A_106 = tpu.memref_slice %arg5[%dma_start3A_99, %dma_start3A_105] : memref<512x50xi32, #tpu.memory_space<vmem>> -> memref<1x50xi32, #tpu.memory_space<vmem>>
    %dma_start3A_107 = tpu.memref_squeeze %dma_start3A_106 : memref<1x50xi32, #tpu.memory_space<vmem>> -> memref<50xi32, #tpu.memory_space<vmem>>
    %dma_start3A_108 = arith.constant 0 : i32
    %dma_start3A_109 = arith.constant 0 : i32
    %dma_start3A_110 = tpu.memref_slice %arg3[%dma_start3A_108, %dma_start3A_109] : memref<100032x128xf32, #tpu.memory_space<hbm>> -> memref<100032x128xf32, #tpu.memory_space<hbm>>
    tpu.enqueue_indirect_dma source(%dma_start3A_110 : memref<100032x128xf32, #tpu.memory_space<hbm>>) target(%dma_start3A_104 : memref<50x128xf32, #tpu.memory_space<vmem>>) offsets(%dma_start3A_107 : memref<50xi32, #tpu.memory_space<vmem>>) semaphore(%arg9 : memref<!tpu.dma_semaphore, #tpu.memory_space<semaphore_mem>>)
    %scan3A = arith.constant 0 : i32
    %scan3A_111 = arith.constant 0 : i32
    %scan3A_112 = arith.constant 63 : i32
    %scan3A_113 = arith.addi %scan3A_111, %scan3A_112 : i32
    %scan3A_114 = arith.constant 1 : i32
    scf.for %scan3A_142 = %scan3A_111 to %scan3A_113 step %scan3A_114  : i32 {
      %mul3A_143 = arith.constant 2 : i32
      %mul3A_144 = arith.muli %mul3A_143, %scan3A_142 : i32
      %add3A_145 = arith.constant 2 : i32
      %add3A_146 = arith.addi %add3A_145, %mul3A_144 : i32
      %dma_wait3A_147 = arith.constant 0 : i32
      %dma_wait3A_148 = arith.constant 0 : i32
      %dma_wait3A_149 = tpu.memref_slice %arg4[%mul3A_2, %dma_wait3A_147, %dma_wait3A_148] : memref<16384x50x128xf32, #tpu.memory_space<hbm>> -> memref<4x50x128xf32, #tpu.memory_space<hbm>>
      %dma_wait3A_150 = arith.constant 0 : i32
      %dma_wait3A_151 = arith.constant 0 : i32
      %dma_wait3A_152 = tpu.memref_slice %arg4[%mul3A_2, %dma_wait3A_150, %dma_wait3A_151] : memref<16384x50x128xf32, #tpu.memory_space<hbm>> -> memref<4x50x128xf32, #tpu.memory_space<hbm>>
      tpu.wait_dma2 semaphore(%arg10 : memref<!tpu.dma_semaphore, #tpu.memory_space<semaphore_mem>>) src(%arg6 : memref<4x50x128xf32, #tpu.memory_space<vmem>>) dst(%dma_wait3A_152 : memref<4x50x128xf32, #tpu.memory_space<hbm>>)
      %mul3A_153 = arith.constant 4 : i32
      %mul3A_154 = arith.muli %add3A_146, %mul3A_153 : i32
      %add3A_155 = arith.constant 0 : i32
      %add3A_156 = arith.addi %mul3A_154, %add3A_155 : i32
      %dma_start3A_157 = arith.constant 0 : i32
      %dma_start3A_158 = arith.constant 0 : i32
      %dma_start3A_159 = arith.constant 0 : i32
      %dma_start3A_160 = tpu.memref_slice %arg6[%dma_start3A_157, %dma_start3A_158, %dma_start3A_159] : memref<4x50x128xf32, #tpu.memory_space<vmem>> -> memref<1x50x128xf32, #tpu.memory_space<vmem>>
      %dma_start3A_161 = tpu.memref_squeeze %dma_start3A_160 : memref<1x50x128xf32, #tpu.memory_space<vmem>> -> memref<50x128xf32, #tpu.memory_space<vmem>>
      %dma_start3A_162 = arith.constant 0 : i32
      %dma_start3A_163 = tpu.memref_slice %arg5[%add3A_156, %dma_start3A_162] : memref<512x50xi32, #tpu.memory_space<vmem>> -> memref<1x50xi32, #tpu.memory_space<vmem>>
      %dma_start3A_164 = tpu.memref_squeeze %dma_start3A_163 : memref<1x50xi32, #tpu.memory_space<vmem>> -> memref<50xi32, #tpu.memory_space<vmem>>
      %dma_start3A_165 = arith.constant 0 : i32
      %dma_start3A_166 = arith.constant 0 : i32
      %dma_start3A_167 = tpu.memref_slice %arg3[%dma_start3A_165, %dma_start3A_166] : memref<100032x128xf32, #tpu.memory_space<hbm>> -> memref<100032x128xf32, #tpu.memory_space<hbm>>
      tpu.enqueue_indirect_dma source(%dma_start3A_167 : memref<100032x128xf32, #tpu.memory_space<hbm>>) target(%dma_start3A_161 : memref<50x128xf32, #tpu.memory_space<vmem>>) offsets(%dma_start3A_164 : memref<50xi32, #tpu.memory_space<vmem>>) semaphore(%arg8 : memref<!tpu.dma_semaphore, #tpu.memory_space<semaphore_mem>>)
      %mul3A_168 = arith.constant 4 : i32
      %mul3A_169 = arith.muli %add3A_146, %mul3A_168 : i32
      %add3A_170 = arith.constant 1 : i32
      %add3A_171 = arith.addi %mul3A_169, %add3A_170 : i32
      %dma_start3A_172 = arith.constant 1 : i32
      %dma_start3A_173 = arith.constant 0 : i32
      %dma_start3A_174 = arith.constant 0 : i32
      %dma_start3A_175 = tpu.memref_slice %arg6[%dma_start3A_172, %dma_start3A_173, %dma_start3A_174] : memref<4x50x128xf32, #tpu.memory_space<vmem>> -> memref<1x50x128xf32, #tpu.memory_space<vmem>>
      %dma_start3A_176 = tpu.memref_squeeze %dma_start3A_175 : memref<1x50x128xf32, #tpu.memory_space<vmem>> -> memref<50x128xf32, #tpu.memory_space<vmem>>
      %dma_start3A_177 = arith.constant 0 : i32
      %dma_start3A_178 = tpu.memref_slice %arg5[%add3A_171, %dma_start3A_177] : memref<512x50xi32, #tpu.memory_space<vmem>> -> memref<1x50xi32, #tpu.memory_space<vmem>>
      %dma_start3A_179 = tpu.memref_squeeze %dma_start3A_178 : memref<1x50xi32, #tpu.memory_space<vmem>> -> memref<50xi32, #tpu.memory_space<vmem>>
      %dma_start3A_180 = arith.constant 0 : i32
      %dma_start3A_181 = arith.constant 0 : i32
      %dma_start3A_182 = tpu.memref_slice %arg3[%dma_start3A_180, %dma_start3A_181] : memref<100032x128xf32, #tpu.memory_space<hbm>> -> memref<100032x128xf32, #tpu.memory_space<hbm>>
      tpu.enqueue_indirect_dma source(%dma_start3A_182 : memref<100032x128xf32, #tpu.memory_space<hbm>>) target(%dma_start3A_176 : memref<50x128xf32, #tpu.memory_space<vmem>>) offsets(%dma_start3A_179 : memref<50xi32, #tpu.memory_space<vmem>>) semaphore(%arg8 : memref<!tpu.dma_semaphore, #tpu.memory_space<semaphore_mem>>)
      %mul3A_183 = arith.constant 4 : i32
      %mul3A_184 = arith.muli %add3A_146, %mul3A_183 : i32
      %add3A_185 = arith.constant 2 : i32
      %add3A_186 = arith.addi %mul3A_184, %add3A_185 : i32
      %dma_start3A_187 = arith.constant 2 : i32
      %dma_start3A_188 = arith.constant 0 : i32
      %dma_start3A_189 = arith.constant 0 : i32
      %dma_start3A_190 = tpu.memref_slice %arg6[%dma_start3A_187, %dma_start3A_188, %dma_start3A_189] : memref<4x50x128xf32, #tpu.memory_space<vmem>> -> memref<1x50x128xf32, #tpu.memory_space<vmem>>
      %dma_start3A_191 = tpu.memref_squeeze %dma_start3A_190 : memref<1x50x128xf32, #tpu.memory_space<vmem>> -> memref<50x128xf32, #tpu.memory_space<vmem>>
      %dma_start3A_192 = arith.constant 0 : i32
      %dma_start3A_193 = tpu.memref_slice %arg5[%add3A_186, %dma_start3A_192] : memref<512x50xi32, #tpu.memory_space<vmem>> -> memref<1x50xi32, #tpu.memory_space<vmem>>
      %dma_start3A_194 = tpu.memref_squeeze %dma_start3A_193 : memref<1x50xi32, #tpu.memory_space<vmem>> -> memref<50xi32, #tpu.memory_space<vmem>>
      %dma_start3A_195 = arith.constant 0 : i32
      %dma_start3A_196 = arith.constant 0 : i32
      %dma_start3A_197 = tpu.memref_slice %arg3[%dma_start3A_195, %dma_start3A_196] : memref<100032x128xf32, #tpu.memory_space<hbm>> -> memref<100032x128xf32, #tpu.memory_space<hbm>>
      tpu.enqueue_indirect_dma source(%dma_start3A_197 : memref<100032x128xf32, #tpu.memory_space<hbm>>) target(%dma_start3A_191 : memref<50x128xf32, #tpu.memory_space<vmem>>) offsets(%dma_start3A_194 : memref<50xi32, #tpu.memory_space<vmem>>) semaphore(%arg8 : memref<!tpu.dma_semaphore, #tpu.memory_space<semaphore_mem>>)
      %mul3A_198 = arith.constant 4 : i32
      %mul3A_199 = arith.muli %add3A_146, %mul3A_198 : i32
      %add3A_200 = arith.constant 3 : i32
      %add3A_201 = arith.addi %mul3A_199, %add3A_200 : i32
      %dma_start3A_202 = arith.constant 3 : i32
      %dma_start3A_203 = arith.constant 0 : i32
      %dma_start3A_204 = arith.constant 0 : i32
      %dma_start3A_205 = tpu.memref_slice %arg6[%dma_start3A_202, %dma_start3A_203, %dma_start3A_204] : memref<4x50x128xf32, #tpu.memory_space<vmem>> -> memref<1x50x128xf32, #tpu.memory_space<vmem>>
      %dma_start3A_206 = tpu.memref_squeeze %dma_start3A_205 : memref<1x50x128xf32, #tpu.memory_space<vmem>> -> memref<50x128xf32, #tpu.memory_space<vmem>>
      %dma_start3A_207 = arith.constant 0 : i32
      %dma_start3A_208 = tpu.memref_slice %arg5[%add3A_201, %dma_start3A_207] : memref<512x50xi32, #tpu.memory_space<vmem>> -> memref<1x50xi32, #tpu.memory_space<vmem>>
      %dma_start3A_209 = tpu.memref_squeeze %dma_start3A_208 : memref<1x50xi32, #tpu.memory_space<vmem>> -> memref<50xi32, #tpu.memory_space<vmem>>
      %dma_start3A_210 = arith.constant 0 : i32
      %dma_start3A_211 = arith.constant 0 : i32
      %dma_start3A_212 = tpu.memref_slice %arg3[%dma_start3A_210, %dma_start3A_211] : memref<100032x128xf32, #tpu.memory_space<hbm>> -> memref<100032x128xf32, #tpu.memory_space<hbm>>
      tpu.enqueue_indirect_dma source(%dma_start3A_212 : memref<100032x128xf32, #tpu.memory_space<hbm>>) target(%dma_start3A_206 : memref<50x128xf32, #tpu.memory_space<vmem>>) offsets(%dma_start3A_209 : memref<50xi32, #tpu.memory_space<vmem>>) semaphore(%arg8 : memref<!tpu.dma_semaphore, #tpu.memory_space<semaphore_mem>>)
      %dma_wait3A_213 = arith.constant 0 : i32
      %dma_wait3A_214 = arith.constant 0 : i32
      %dma_wait3A_215 = tpu.memref_slice %arg4[%mul3A_2, %dma_wait3A_213, %dma_wait3A_214] : memref<16384x50x128xf32, #tpu.memory_space<hbm>> -> memref<4x50x128xf32, #tpu.memory_space<hbm>>
      %dma_wait3A_216 = arith.constant 0 : i32
      %dma_wait3A_217 = arith.constant 0 : i32
      %dma_wait3A_218 = tpu.memref_slice %arg4[%mul3A_2, %dma_wait3A_216, %dma_wait3A_217] : memref<16384x50x128xf32, #tpu.memory_space<hbm>> -> memref<4x50x128xf32, #tpu.memory_space<hbm>>
      tpu.wait_dma2 semaphore(%arg9 : memref<!tpu.dma_semaphore, #tpu.memory_space<semaphore_mem>>) src(%dma_wait3A_218 : memref<4x50x128xf32, #tpu.memory_space<hbm>>) dst(%arg7 : memref<4x50x128xf32, #tpu.memory_space<vmem>>)
      %sub3A = arith.constant 1 : i32
      %sub3A_219 = arith.subi %add3A_146, %sub3A : i32
      %mul3A_220 = arith.constant 4 : i32
      %mul3A_221 = arith.muli %sub3A_219, %mul3A_220 : i32
      %add3A_222 = arith.addi %mul3A_2, %mul3A_221 : i32
      %dma_start3A_223 = arith.constant 0 : i32
      %dma_start3A_224 = arith.constant 0 : i32
      %dma_start3A_225 = tpu.memref_slice %arg4[%add3A_222, %dma_start3A_223, %dma_start3A_224] : memref<16384x50x128xf32, #tpu.memory_space<hbm>> -> memref<4x50x128xf32, #tpu.memory_space<hbm>>
      %dma_start3A_226 = arith.constant 0 : i32
      %dma_start3A_227 = arith.constant 0 : i32
      %dma_start3A_228 = tpu.memref_slice %arg4[%add3A_222, %dma_start3A_226, %dma_start3A_227] : memref<16384x50x128xf32, #tpu.memory_space<hbm>> -> memref<4x50x128xf32, #tpu.memory_space<hbm>>
      tpu.enqueue_dma source(%arg7 : memref<4x50x128xf32, #tpu.memory_space<vmem>>) target(%dma_start3A_228 : memref<4x50x128xf32, #tpu.memory_space<hbm>>) target_semaphore(%arg11 : memref<!tpu.dma_semaphore, #tpu.memory_space<semaphore_mem>>)
      %dma_wait3A_229 = arith.constant 0 : i32
      %dma_wait3A_230 = arith.constant 0 : i32
      %dma_wait3A_231 = tpu.memref_slice %arg4[%mul3A_2, %dma_wait3A_229, %dma_wait3A_230] : memref<16384x50x128xf32, #tpu.memory_space<hbm>> -> memref<4x50x128xf32, #tpu.memory_space<hbm>>
      %dma_wait3A_232 = arith.constant 0 : i32
      %dma_wait3A_233 = arith.constant 0 : i32
      %dma_wait3A_234 = tpu.memref_slice %arg4[%mul3A_2, %dma_wait3A_232, %dma_wait3A_233] : memref<16384x50x128xf32, #tpu.memory_space<hbm>> -> memref<4x50x128xf32, #tpu.memory_space<hbm>>
      tpu.wait_dma2 semaphore(%arg11 : memref<!tpu.dma_semaphore, #tpu.memory_space<semaphore_mem>>) src(%arg7 : memref<4x50x128xf32, #tpu.memory_space<vmem>>) dst(%dma_wait3A_234 : memref<4x50x128xf32, #tpu.memory_space<hbm>>)
      %add3A_235 = arith.constant 1 : i32
      %add3A_236 = arith.addi %add3A_146, %add3A_235 : i32
      %mul3A_237 = arith.constant 4 : i32
      %mul3A_238 = arith.muli %add3A_236, %mul3A_237 : i32
      %add3A_239 = arith.constant 0 : i32
      %add3A_240 = arith.addi %mul3A_238, %add3A_239 : i32
      %dma_start3A_241 = arith.constant 0 : i32
      %dma_start3A_242 = arith.constant 0 : i32
      %dma_start3A_243 = arith.constant 0 : i32
      %dma_start3A_244 = tpu.memref_slice %arg7[%dma_start3A_241, %dma_start3A_242, %dma_start3A_243] : memref<4x50x128xf32, #tpu.memory_space<vmem>> -> memref<1x50x128xf32, #tpu.memory_space<vmem>>
      %dma_start3A_245 = tpu.memref_squeeze %dma_start3A_244 : memref<1x50x128xf32, #tpu.memory_space<vmem>> -> memref<50x128xf32, #tpu.memory_space<vmem>>
      %dma_start3A_246 = arith.constant 0 : i32
      %dma_start3A_247 = tpu.memref_slice %arg5[%add3A_240, %dma_start3A_246] : memref<512x50xi32, #tpu.memory_space<vmem>> -> memref<1x50xi32, #tpu.memory_space<vmem>>
      %dma_start3A_248 = tpu.memref_squeeze %dma_start3A_247 : memref<1x50xi32, #tpu.memory_space<vmem>> -> memref<50xi32, #tpu.memory_space<vmem>>
      %dma_start3A_249 = arith.constant 0 : i32
      %dma_start3A_250 = arith.constant 0 : i32
      %dma_start3A_251 = tpu.memref_slice %arg3[%dma_start3A_249, %dma_start3A_250] : memref<100032x128xf32, #tpu.memory_space<hbm>> -> memref<100032x128xf32, #tpu.memory_space<hbm>>
      tpu.enqueue_indirect_dma source(%dma_start3A_251 : memref<100032x128xf32, #tpu.memory_space<hbm>>) target(%dma_start3A_245 : memref<50x128xf32, #tpu.memory_space<vmem>>) offsets(%dma_start3A_248 : memref<50xi32, #tpu.memory_space<vmem>>) semaphore(%arg9 : memref<!tpu.dma_semaphore, #tpu.memory_space<semaphore_mem>>)
      %mul3A_252 = arith.constant 4 : i32
      %mul3A_253 = arith.muli %add3A_236, %mul3A_252 : i32
      %add3A_254 = arith.constant 1 : i32
      %add3A_255 = arith.addi %mul3A_253, %add3A_254 : i32
      %dma_start3A_256 = arith.constant 1 : i32
      %dma_start3A_257 = arith.constant 0 : i32
      %dma_start3A_258 = arith.constant 0 : i32
      %dma_start3A_259 = tpu.memref_slice %arg7[%dma_start3A_256, %dma_start3A_257, %dma_start3A_258] : memref<4x50x128xf32, #tpu.memory_space<vmem>> -> memref<1x50x128xf32, #tpu.memory_space<vmem>>
      %dma_start3A_260 = tpu.memref_squeeze %dma_start3A_259 : memref<1x50x128xf32, #tpu.memory_space<vmem>> -> memref<50x128xf32, #tpu.memory_space<vmem>>
      %dma_start3A_261 = arith.constant 0 : i32
      %dma_start3A_262 = tpu.memref_slice %arg5[%add3A_255, %dma_start3A_261] : memref<512x50xi32, #tpu.memory_space<vmem>> -> memref<1x50xi32, #tpu.memory_space<vmem>>
      %dma_start3A_263 = tpu.memref_squeeze %dma_start3A_262 : memref<1x50xi32, #tpu.memory_space<vmem>> -> memref<50xi32, #tpu.memory_space<vmem>>
      %dma_start3A_264 = arith.constant 0 : i32
      %dma_start3A_265 = arith.constant 0 : i32
      %dma_start3A_266 = tpu.memref_slice %arg3[%dma_start3A_264, %dma_start3A_265] : memref<100032x128xf32, #tpu.memory_space<hbm>> -> memref<100032x128xf32, #tpu.memory_space<hbm>>
      tpu.enqueue_indirect_dma source(%dma_start3A_266 : memref<100032x128xf32, #tpu.memory_space<hbm>>) target(%dma_start3A_260 : memref<50x128xf32, #tpu.memory_space<vmem>>) offsets(%dma_start3A_263 : memref<50xi32, #tpu.memory_space<vmem>>) semaphore(%arg9 : memref<!tpu.dma_semaphore, #tpu.memory_space<semaphore_mem>>)
      %mul3A_267 = arith.constant 4 : i32
      %mul3A_268 = arith.muli %add3A_236, %mul3A_267 : i32
      %add3A_269 = arith.constant 2 : i32
      %add3A_270 = arith.addi %mul3A_268, %add3A_269 : i32
      %dma_start3A_271 = arith.constant 2 : i32
      %dma_start3A_272 = arith.constant 0 : i32
      %dma_start3A_273 = arith.constant 0 : i32
      %dma_start3A_274 = tpu.memref_slice %arg7[%dma_start3A_271, %dma_start3A_272, %dma_start3A_273] : memref<4x50x128xf32, #tpu.memory_space<vmem>> -> memref<1x50x128xf32, #tpu.memory_space<vmem>>
      %dma_start3A_275 = tpu.memref_squeeze %dma_start3A_274 : memref<1x50x128xf32, #tpu.memory_space<vmem>> -> memref<50x128xf32, #tpu.memory_space<vmem>>
      %dma_start3A_276 = arith.constant 0 : i32
      %dma_start3A_277 = tpu.memref_slice %arg5[%add3A_270, %dma_start3A_276] : memref<512x50xi32, #tpu.memory_space<vmem>> -> memref<1x50xi32, #tpu.memory_space<vmem>>
      %dma_start3A_278 = tpu.memref_squeeze %dma_start3A_277 : memref<1x50xi32, #tpu.memory_space<vmem>> -> memref<50xi32, #tpu.memory_space<vmem>>
      %dma_start3A_279 = arith.constant 0 : i32
      %dma_start3A_280 = arith.constant 0 : i32
      %dma_start3A_281 = tpu.memref_slice %arg3[%dma_start3A_279, %dma_start3A_280] : memref<100032x128xf32, #tpu.memory_space<hbm>> -> memref<100032x128xf32, #tpu.memory_space<hbm>>
      tpu.enqueue_indirect_dma source(%dma_start3A_281 : memref<100032x128xf32, #tpu.memory_space<hbm>>) target(%dma_start3A_275 : memref<50x128xf32, #tpu.memory_space<vmem>>) offsets(%dma_start3A_278 : memref<50xi32, #tpu.memory_space<vmem>>) semaphore(%arg9 : memref<!tpu.dma_semaphore, #tpu.memory_space<semaphore_mem>>)
      %mul3A_282 = arith.constant 4 : i32
      %mul3A_283 = arith.muli %add3A_236, %mul3A_282 : i32
      %add3A_284 = arith.constant 3 : i32
      %add3A_285 = arith.addi %mul3A_283, %add3A_284 : i32
      %dma_start3A_286 = arith.constant 3 : i32
      %dma_start3A_287 = arith.constant 0 : i32
      %dma_start3A_288 = arith.constant 0 : i32
      %dma_start3A_289 = tpu.memref_slice %arg7[%dma_start3A_286, %dma_start3A_287, %dma_start3A_288] : memref<4x50x128xf32, #tpu.memory_space<vmem>> -> memref<1x50x128xf32, #tpu.memory_space<vmem>>
      %dma_start3A_290 = tpu.memref_squeeze %dma_start3A_289 : memref<1x50x128xf32, #tpu.memory_space<vmem>> -> memref<50x128xf32, #tpu.memory_space<vmem>>
      %dma_start3A_291 = arith.constant 0 : i32
      %dma_start3A_292 = tpu.memref_slice %arg5[%add3A_285, %dma_start3A_291] : memref<512x50xi32, #tpu.memory_space<vmem>> -> memref<1x50xi32, #tpu.memory_space<vmem>>
      %dma_start3A_293 = tpu.memref_squeeze %dma_start3A_292 : memref<1x50xi32, #tpu.memory_space<vmem>> -> memref<50xi32, #tpu.memory_space<vmem>>
      %dma_start3A_294 = arith.constant 0 : i32
      %dma_start3A_295 = arith.constant 0 : i32
      %dma_start3A_296 = tpu.memref_slice %arg3[%dma_start3A_294, %dma_start3A_295] : memref<100032x128xf32, #tpu.memory_space<hbm>> -> memref<100032x128xf32, #tpu.memory_space<hbm>>
      tpu.enqueue_indirect_dma source(%dma_start3A_296 : memref<100032x128xf32, #tpu.memory_space<hbm>>) target(%dma_start3A_290 : memref<50x128xf32, #tpu.memory_space<vmem>>) offsets(%dma_start3A_293 : memref<50xi32, #tpu.memory_space<vmem>>) semaphore(%arg9 : memref<!tpu.dma_semaphore, #tpu.memory_space<semaphore_mem>>)
      %dma_wait3A_297 = arith.constant 0 : i32
      %dma_wait3A_298 = arith.constant 0 : i32
      %dma_wait3A_299 = tpu.memref_slice %arg4[%mul3A_2, %dma_wait3A_297, %dma_wait3A_298] : memref<16384x50x128xf32, #tpu.memory_space<hbm>> -> memref<4x50x128xf32, #tpu.memory_space<hbm>>
      %dma_wait3A_300 = arith.constant 0 : i32
      %dma_wait3A_301 = arith.constant 0 : i32
      %dma_wait3A_302 = tpu.memref_slice %arg4[%mul3A_2, %dma_wait3A_300, %dma_wait3A_301] : memref<16384x50x128xf32, #tpu.memory_space<hbm>> -> memref<4x50x128xf32, #tpu.memory_space<hbm>>
      tpu.wait_dma2 semaphore(%arg8 : memref<!tpu.dma_semaphore, #tpu.memory_space<semaphore_mem>>) src(%dma_wait3A_302 : memref<4x50x128xf32, #tpu.memory_space<hbm>>) dst(%arg6 : memref<4x50x128xf32, #tpu.memory_space<vmem>>)
      %mul3A_303 = arith.constant 4 : i32
      %mul3A_304 = arith.muli %add3A_146, %mul3A_303 : i32
      %add3A_305 = arith.addi %mul3A_2, %mul3A_304 : i32
      %dma_start3A_306 = arith.constant 0 : i32
      %dma_start3A_307 = arith.constant 0 : i32
      %dma_start3A_308 = tpu.memref_slice %arg4[%add3A_305, %dma_start3A_306, %dma_start3A_307] : memref<16384x50x128xf32, #tpu.memory_space<hbm>> -> memref<4x50x128xf32, #tpu.memory_space<hbm>>
      %dma_start3A_309 = arith.constant 0 : i32
      %dma_start3A_310 = arith.constant 0 : i32
      %dma_start3A_311 = tpu.memref_slice %arg4[%add3A_305, %dma_start3A_309, %dma_start3A_310] : memref<16384x50x128xf32, #tpu.memory_space<hbm>> -> memref<4x50x128xf32, #tpu.memory_space<hbm>>
      tpu.enqueue_dma source(%arg6 : memref<4x50x128xf32, #tpu.memory_space<vmem>>) target(%dma_start3A_311 : memref<4x50x128xf32, #tpu.memory_space<hbm>>) target_semaphore(%arg10 : memref<!tpu.dma_semaphore, #tpu.memory_space<semaphore_mem>>)
    }
    %scan3A_115 = arith.constant 63 : i32
    %dma_wait3A_116 = arith.constant 0 : i32
    %dma_wait3A_117 = arith.constant 0 : i32
    %dma_wait3A_118 = tpu.memref_slice %arg4[%mul3A_2, %dma_wait3A_116, %dma_wait3A_117] : memref<16384x50x128xf32, #tpu.memory_space<hbm>> -> memref<4x50x128xf32, #tpu.memory_space<hbm>>
    %dma_wait3A_119 = arith.constant 0 : i32
    %dma_wait3A_120 = arith.constant 0 : i32
    %dma_wait3A_121 = tpu.memref_slice %arg4[%mul3A_2, %dma_wait3A_119, %dma_wait3A_120] : memref<16384x50x128xf32, #tpu.memory_space<hbm>> -> memref<4x50x128xf32, #tpu.memory_space<hbm>>
    tpu.wait_dma2 semaphore(%arg9 : memref<!tpu.dma_semaphore, #tpu.memory_space<semaphore_mem>>) src(%dma_wait3A_121 : memref<4x50x128xf32, #tpu.memory_space<hbm>>) dst(%arg7 : memref<4x50x128xf32, #tpu.memory_space<vmem>>)
    %add3A_122 = arith.constant 508 : i32
    %add3A_123 = arith.addi %mul3A_2, %add3A_122 : i32
    %dma_start3A_124 = arith.constant 0 : i32
    %dma_start3A_125 = arith.constant 0 : i32
    %dma_start3A_126 = tpu.memref_slice %arg4[%add3A_123, %dma_start3A_124, %dma_start3A_125] : memref<16384x50x128xf32, #tpu.memory_space<hbm>> -> memref<4x50x128xf32, #tpu.memory_space<hbm>>
    %dma_start3A_127 = arith.constant 0 : i32
    %dma_start3A_128 = arith.constant 0 : i32
    %dma_start3A_129 = tpu.memref_slice %arg4[%add3A_123, %dma_start3A_127, %dma_start3A_128] : memref<16384x50x128xf32, #tpu.memory_space<hbm>> -> memref<4x50x128xf32, #tpu.memory_space<hbm>>
    tpu.enqueue_dma source(%arg7 : memref<4x50x128xf32, #tpu.memory_space<vmem>>) target(%dma_start3A_129 : memref<4x50x128xf32, #tpu.memory_space<hbm>>) target_semaphore(%arg11 : memref<!tpu.dma_semaphore, #tpu.memory_space<semaphore_mem>>)
    %dma_wait3A_130 = arith.constant 0 : i32
    %dma_wait3A_131 = arith.constant 0 : i32
    %dma_wait3A_132 = tpu.memref_slice %arg4[%mul3A_2, %dma_wait3A_130, %dma_wait3A_131] : memref<16384x50x128xf32, #tpu.memory_space<hbm>> -> memref<4x50x128xf32, #tpu.memory_space<hbm>>
    %dma_wait3A_133 = arith.constant 0 : i32
    %dma_wait3A_134 = arith.constant 0 : i32
    %dma_wait3A_135 = tpu.memref_slice %arg4[%mul3A_2, %dma_wait3A_133, %dma_wait3A_134] : memref<16384x50x128xf32, #tpu.memory_space<hbm>> -> memref<4x50x128xf32, #tpu.memory_space<hbm>>
    tpu.wait_dma2 semaphore(%arg10 : memref<!tpu.dma_semaphore, #tpu.memory_space<semaphore_mem>>) src(%arg6 : memref<4x50x128xf32, #tpu.memory_space<vmem>>) dst(%dma_wait3A_135 : memref<4x50x128xf32, #tpu.memory_space<hbm>>)
    %dma_wait3A_136 = arith.constant 0 : i32
    %dma_wait3A_137 = arith.constant 0 : i32
    %dma_wait3A_138 = tpu.memref_slice %arg4[%mul3A_2, %dma_wait3A_136, %dma_wait3A_137] : memref<16384x50x128xf32, #tpu.memory_space<hbm>> -> memref<4x50x128xf32, #tpu.memory_space<hbm>>
    %dma_wait3A_139 = arith.constant 0 : i32
    %dma_wait3A_140 = arith.constant 0 : i32
    %dma_wait3A_141 = tpu.memref_slice %arg4[%mul3A_2, %dma_wait3A_139, %dma_wait3A_140] : memref<16384x50x128xf32, #tpu.memory_space<hbm>> -> memref<4x50x128xf32, #tpu.memory_space<hbm>>
    tpu.wait_dma2 semaphore(%arg11 : memref<!tpu.dma_semaphore, #tpu.memory_space<semaphore_mem>>) src(%arg7 : memref<4x50x128xf32, #tpu.memory_space<vmem>>) dst(%dma_wait3A_141 : memref<4x50x128xf32, #tpu.memory_space<hbm>>)
    return
  }
}

</mosaic_0001>

<sc_bundles>
// kernel: kernel.3.cloned.1.call-start
scs
__scs_entry_jumppad:
0x0: {  	(pc) =	sbr.rel $0x88, $3  }
0x1: {  	(tag) =	ssettag $0x0;
	lr =	simm.s32 $0x1  }
0x2: {  	[smem:$0x3F9F] =	sst lr;
	_ =	strace $0xD0000000  }
0x3: {  	_ = 	snop  }
0x4: {  	_ = 	snop  }
0x5: {  	_ = 	snop  }
0x6: {  	_ = 	snop  }
0x7: {  	_ = 	snop  }
__scs_overlays_trampoline_lowered:
0x8: {  	[smem:$0x3FAE] =	sst s0  }
0x9: {  	[smem:$0x3FAF] =	sst s1  }
0xa: {  	[smem:$0x3FB0] =	sst s2  }
0xb: {  	[smem:$0x3FB1] =	sst s3  }
0xc: {  	[smem:$0x3FB2] =	sst s4  }
0xd: {  	[smem:$0x3FB3] =	sst s5  }
0xe: {  	[smem:$0x3FB4] =	sst s6  }
0xf: {  	[smem:$0x3FB5] =	sst s7  }
0x10: {  	[smem:$0x3FB6] =	sst s8  }
0x11: {  	[smem:$0x3FB7] =	sst s9;
	s0 =	simm.s32 @!p0 $0x0  }
0x12: {  	s1 =	sld [smem:$0x3F9D];
	s0 =	simm.s32 @p0 $0x1  }
0x13: {  	[smem:$0x3FB8] =	sst s0;
	s0 =	simm.s32 @!p1 $0x0  }
0x14: {  	s2 =	sld [smem:$0x3F9C];
	s0 =	simm.s32 @p1 $0x1  }
0x15: {  	[smem:$0x3FB9] =	sst s0;
	s0 =	simm.s32 @!p2 $0x0  }
0x16: {  	s3 =	sld [smem:$0x3FDB];
	s0 =	simm.s32 @p2 $0x1  }
0x17: {  	s4 =	simm.s32 $0x1BF5;
	[smem:$0x3FBB] =	sst s0  }
0x18: {  	s0 =	sld [smem:$0x3F9E];
	_ =	swait.ge [sflag:s4], $0x0  }
0x19: {  	s7 =	sld [smem:$0x3F9F]  }
0x1a: {  	s8 =	sadd.s32 $0xFFFFE003, lr  }
0x1b: {  	s9 =	sadd.s32 $0xFFFFFEF7, lr;
	s5 =	simm.s32 $0xFFFFFFFF;
	p2 =	slt.u32 s8, $0xFFFFF086  }
0x1c: {  	p1 =	slt.u32 s9, $0xF7A;
	s5 =	simm.s32 @!p2 $0x0  }
0x1d: {  	s5 =	simm.s32 @p1 $0x1;
	p0 =	seq.s32 s7, s2  }
0x1e: {  	s7 =	smul.u32 @!p0 $0xF7A, s2;
	p2 =	seq.s32 @!p0 s5, $0x0  }
0x1f: {  	s9 =	smul.u32 $0xF7A, s1;
	s8 =	simm.s32 @!p0 $0x1BF5;
	p2 =	por !p2, p0  }
0x20: {  	[sflag:s8] =	ssyncset.s32 @!p0 $0xFFFFF086;
	s6 =	sadd.s32 @!p0 s3, s7;
	s7 =	simm.s32 @!p0 $0x108  }
0x21: {  	s3 =	sadd.s32 s3, s9;
	s6 =	sadd.s32 @!p0 $0x88, s6;
	s7 =	simm.s32 @p2 $0x1082  }
0x22: {  	[simem:s7], [sflag:s8] =	dma.local @!p0 [hbm:s6], $0xF7A  }
0x23: {  	s9 =	sor.u32 $0xD0000000, s2;
	s6 =	simm.s32 $0x108;
	_ =	swait.ge @!p0 [sflag:s8], $0x0  }
0x24: {  	s3 =	sadd.s32 $0x88, s3;
	s6 =	simm.s32 @!p1 $0x1082;
	[sflag:s4] =	ssyncset.s32 $0xFFFFF086  }
0x25: {  	[simem:s6], [sflag:s4] =	dma.local [hbm:s3], $0xF7A  }
0x26: {  	[smem:$0x3F9F] =	sst s1;
	(tag) =	ssettag s2;
	_ =	strace s9  }
0x27: {  	s1 =	sld [smem:$0x3FAF]  }
0x28: {  	s2 =	sld [smem:$0x3FB0]  }
0x29: {  	s4 =	sld [smem:$0x3FB2]  }
0x2a: {  	p0 =	seq.s32 s5, $0x0;
	s5 =	sld [smem:$0x3FB3]  }
0x2b: {  	s6 =	sld [smem:$0x3FB4]  }
0x2c: {  	s7 =	sld [smem:$0x3FB5]  }
0x2d: {  	s3 =	simm.s32 $0x108;
	s8 =	sld [smem:$0x3FB6]  }
0x2e: {  	s3 =	simm.s32 @!p0 $0x1082;
	s9 =	sld [smem:$0x3FB7]  }
0x2f: {  	lr =	sadd.s32 s0, s3;
	s0 =	sld [smem:$0x3FAE]  }
0x30: {  	s3 =	sld [smem:$0x3FB1]  }
0x31: {  	[smem:$0x3FBA] =	sst s10  }
0x32: {  	s10 =	sld [smem:$0x3FB8];
	_ =	sdelay $0x3  }
0x33: {  	p0 =	seq.s32 s10, $0x1;
	s10 =	sld [smem:$0x3FBA];
	_ =	sdelay $0x3  }
0x34: {  	[smem:$0x3FBA] =	sst s10  }
0x35: {  	s10 =	sld [smem:$0x3FB9];
	_ =	sdelay $0x3  }
0x36: {  	p1 =	seq.s32 s10, $0x1;
	s10 =	sld [smem:$0x3FBA];
	_ =	sdelay $0x3  }
0x37: {  	[smem:$0x3FBA] =	sst s10  }
0x38: {  	s10 =	sld [smem:$0x3FBB]  }
0x39: {  	_ = 	snop;
	(pc) =	sbr.ind lr, $3  }
0x3a: {  	_ = 	snop  }
0x3b: {  	_ = 	snop  }
0x3c: {  	p2 =	seq.s32 s10, $0x1;
	s10 =	sld [smem:$0x3FBA]  }
0x3d: {  	_ =	shalt  }
0x3e: {  	_ =	shalt  }
0x3f: {  	_ =	shalt  }
0x40: {  	_ =	shalt  }
0x41: {  	_ =	shalt  }
0x42: {  	_ =	shalt  }
0x43: {  	_ =	shalt  }
0x44: {  	_ =	shalt  }
0x45: {  	_ =	shalt  }
0x46: {  	_ =	shalt  }
0x47: {  	_ =	shalt  }
0x48: {  	_ =	shalt  }
0x49: {  	_ =	shalt  }
0x4a: {  	_ =	shalt  }
0x4b: {  	_ =	shalt  }
0x4c: {  	_ =	shalt  }
0x4d: {  	_ =	shalt  }
0x4e: {  	_ =	shalt  }
0x4f: {  	_ =	shalt  }
0x50: {  	_ =	shalt  }
0x51: {  	_ =	shalt  }
0x52: {  	_ =	shalt  }
0x53: {  	_ =	shalt  }
0x54: {  	_ =	shalt  }
0x55: {  	_ =	shalt  }
0x56: {  	_ =	shalt  }
0x57: {  	_ =	shalt  }
0x58: {  	_ =	shalt  }
0x59: {  	_ =	shalt  }
0x5a: {  	_ =	shalt  }
0x5b: {  	_ =	shalt  }
0x5c: {  	_ =	shalt  }
0x5d: {  	_ =	shalt  }
0x5e: {  	_ =	shalt  }
0x5f: {  	_ =	shalt  }
0x60: {  	_ =	shalt  }
0x61: {  	_ =	shalt  }
0x62: {  	_ =	shalt  }
0x63: {  	_ =	shalt  }
0x64: {  	_ =	shalt  }
0x65: {  	_ =	shalt  }
0x66: {  	_ =	shalt  }
0x67: {  	_ =	shalt  }
0x68: {  	_ =	shalt  }
0x69: {  	_ =	shalt  }
0x6a: {  	_ =	shalt  }
0x6b: {  	_ =	shalt  }
0x6c: {  	_ =	shalt  }
0x6d: {  	_ =	shalt  }
0x6e: {  	_ =	shalt  }
0x6f: {  	_ =	shalt  }
0x70: {  	_ =	shalt  }
0x71: {  	_ =	shalt  }
0x72: {  	_ =	shalt  }
0x73: {  	_ =	shalt  }
0x74: {  	_ =	shalt  }
0x75: {  	_ =	shalt  }
0x76: {  	_ =	shalt  }
0x77: {  	_ =	shalt  }
0x78: {  	_ =	shalt  }
0x79: {  	_ =	shalt  }
0x7a: {  	_ =	shalt  }
0x7b: {  	_ =	shalt  }
0x7c: {  	_ =	shalt  }
0x7d: {  	_ =	shalt  }
0x7e: {  	_ =	shalt  }
0x7f: {  	_ =	shalt  }
0x80: {  	_ =	shalt  }
0x81: {  	_ =	shalt  }
0x82: {  	_ =	shalt  }
0x83: {  	_ =	shalt  }
0x84: {  	_ =	shalt  }
0x85: {  	_ =	shalt  }
0x86: {  	_ =	shalt  }
0x87: {  	_ =	shalt  }
.Lfunc_end0:
.L_simem_size_0:
called_computation_lowered:
.L_overlay_start_0:
0x88: {  	s2 =	sld [smem:$0x3FD9]  }
0x89: {  	s3 =	sld [smem:$0x3FFE];
	_ =	sdelay $0x1  }
0x8a: {  	s1 =	srdreg.scid  }
0x8b: {  	s0 =	sand.u32 $0x1, s1  }
0x8c: {  	s17 =	sshll.u32 s0, $0xA;
	s2 =	sadd.s32 s3, s2  }
0x8d: {  	s2 =	sadd.s32 s2, s17  }
0x8e: {  	[smem:$0x3FC6] =	sst s2  }
0x8f: {  	_ = 	snop  }
0x90: {  	s2 =	sld [smem:$0x3FC8]  }
0x91: {  	s18 =	sld [smem:$0x3FD0];
	(tm) =	ssettm $0x1  }
0x92: {  	s4 =	sld [smem:$0x3FFB];
	_ =	sdelay $0x3  }
0x93: {  	_ =	strace s4  }
0x94: {  	s4 =	sld [smem:$0x3FFC];
	_ =	sdelay $0x3  }
0x95: {  	_ =	strace s4  }
0x96: {  	s4 =	sld [smem:$0x3FFD];
	_ =	sdelay $0x3  }
0x97: {  	_ =	strace s4  }
0x98: {  	_ =	strace $0x8FFFFFFF  }
0x99: {  	s19 =	sld [smem:$0x3FDB];
	_ =	sdelay $0x1  }
0x9a: {  	s5 =	simm.s32 $_scs_section_size  }
0x9b: {  	s6 =	simm.s32 $_size__tile_overlayer_lowered;
	s7 =	simm.s32 $_tile_overlayer_lowered  }
0x9c: {  	s22 =	simm.s32 $0x1BFF;
	s21 =	sshll.u32 s7, $0x1;
	s4 =	sadd.s32 s5, s19  }
0x9d: {  	s8 =	simm.s32 $0x0;
	s20 =	sshll.u32 s6, $0x1;
	s6 =	sadd.s32 s21, s4  }
0x9e: {  	[timem:s8], [sflag:s22] =	dma.local [hbm:s6], s20  }
0x9f: {  	_ =	swait.ge [sflag:s22], s20  }
0xa0: {  	s5 =	ssub.s32 $0x0, s20;
	[sflag:s22] =	ssyncset.done $0x0  }
0xa1: {  	[sflag:s22] =	ssyncadd.s32 s5;
	_ =	sdelay $0x1  }
0xa2: {  	s23 =	simm.s32 $0x1B8B  }
0xa3: {  	_ =	swait.ge [sflag:s23], $0x1  }
0xa4: {  	[sflag:s23] =	ssyncset.done $0x0  }
0xa5: {  	s25 =	simm.s32 $0x1B8E;
	s24 =	sld [smem:$0x3FFE];
	[sflag:s23] =	ssyncadd.s32 $0xFFFFFFFF  }
0xa6: {  	s26 =	simm.s32 $execute0_lowered;
	[smem:$0x3FD2] =	sst s25  }
0xa7: {  	s6 =	sshll.u32 s26, $0x1;
	_ =	strace $0x80000046;
	[dreg:$0x1] =	wrdreg $0xFFFFFFFF  }
0xa8: {  	s28 =	simm.s32 $_size_execute0_lowered;
	s4 =	sadd.s32 s4, s6;
	[dreg:$0x0] =	wrdreg $0x0  }
0xa9: {  	s6 =	sshll.u32 s28, $0x1;
	[dreg:$0x2] =	wrdreg s4  }
0xaa: {  	[dreg:$0x3] =	wrdreg s6  }
0xab: {  	[dreg:$0x4] =	wrdreg $0xC0  }
0xac: {  	_ =	task [dreg:s8], $0x5FFFF  }
0xad: {  	[dreg:$0x1] =	wrdreg $0xFFFFFFFF  }
0xae: {  	[dreg:$0x0] =	wrdreg $0x60  }
0xaf: {  	[dreg:$0x2] =	wrdreg s18  }
0xb0: {  	[dreg:$0x3] =	wrdreg s2  }
0xb1: {  	[dreg:$0x4] =	wrdreg s24  }
0xb2: {  	[dreg:$0x5] =	wrdreg $0x9  }
0xb3: {  	_ =	task.clear_ibuf [dreg:s8], $0x6FFFF;
	_ =	strace $0x90000046  }
0xb4: {  	s29 =	simm.s32 $0x9;
	_ =	strace $0x80000048  }
0xb5: {  	_ =	swait.ge [sflag:s29], $0x1  }
0xb6: {  	[sflag:s29] =	ssyncadd.s32 $0xFFFFFFFF  }
0xb7: {  	_ =	strace $0x90000048  }
0xb8: {  	_ =	sfence  }
0xb9: {  	s30 =	sld [smem:$0x0];
	_ =	sdelay $0x2  }
0xba: {  	s31 =	sshll.u32 s1, $0xD;
	s1 =	sshrl.u32 s1, $0x2  }
0xbb: {  	s3 =	sand.u32 $0x4000, s31;
	s1 =	sadd.s32 s1, s30  }
0xbc: {  	s0 =	sor.u32 s3, s0;
	s1 =	sshll.u32 s1, $0x11  }
0xbd: {  	s0 =	sor.u32 s1, s0  }
0xbe: {  	s0 =	sadd.s32 $0x8F2B, s0  }
0xbf: {  	[sflag:s0] =	ssyncadd.remote.s32 $0x1  }
0xc0: {  	_ =	sfence.sel $0xFFFF  }
0xc1: {  	[dreg:$0x0] =	wrdreg $0xFFFFFFFF;
	(pc) =	sbr.abs _section_cstart, $3  }
0xc2: {  	[dreg:$0x1] =	wrdreg $0xFFFFFFFF  }
0xc3: {  	_ =	task.clear_ibuf [dreg:s8], $0x2FFFF;
	_ =	strace $0x9FFFFFFF  }
0xc4: {  	(tm) =	ssettm $0x7FFFFFFF  }
0xc5: {  	_ =	shalt  }
tec
execute0_lowered:
.L_overlay_start_1:
0x0: {  	(tag) =	ssettag $0x1  }
0x1: {  	s0 =	rddreg [dreg:$0x0]  }
0x2: {  	s1 =	srdreg.scid;
	s2 =	rddreg [dreg:$0x1]  }
0x3: {  	s11 =	stileid.u32;
	s4 =	rddreg [dreg:$0x2]  }
0x4: {  	s3 =	simm.s32 $0x0;
	s13 =	simm.s32 $0x11C00;
	s15 =	simm.s32 $0x13800  }
0x5: {  	s17 =	simm.s32 $0x15400;
	s18 =	simm.s32 $0x1;
	s28 =	simm.s32 $0x1A800  }
0x6: {  	s29 =	simm.s32 $0x380;
	s30 =	simm.s32 $0x1C400;
	s31 =	simm.s32 $0x3  }
0x7: {  	s12 =	simm.s32 $0x0;
	s1 =	sand.u32 $0x1, s1;
	s5 =	sshll.u32 s11, $0xA  }
0x8: {  	[smem:$0x7FF] =	sst s3;
	s10 =	sadd.s32 $0x400, s4;
	s21 =	smul.u32 $0xE0000, s11  }
0x9: {  	s11 =	simm.s32 $0x10000;
	s6 =	sshll.u32 s1, $0x9;
	s20 =	ssub.s32 $0x2, s1  }
0xa: {  	_ =	strace $0x80000047;
	s1 =	smul.u32 $0x70000, s1;
	s5 =	sor.u32 s6, s5  }
0xb: {  	s8 =	sshrl.u32 s20, $0x1;
	s25 =	sadd.s32 s21, s10;
	s7 =	smul.u32 $0x380, s5  }
0xc: {  	s9 =	smul.u32 $0x1C00, s5;
	s8 =	ssub.s32 s20, s8;
	s22 =	sshll.u32 s5, $0x4  }
0xd: {  	s26 =	sadd.s32 s1, s25;
	s25 =	simm.s32 $0x18C00;
	s1 =	simm.s32 $0x2  }
0xe: {  	s4 =	sadd.s32 s0, s22;
	s0 =	simm.s32 $0x4;
	s23 =	sshrl.u32 s9, $0x3  }
0xf: {  	s5 =	sadd.s32 s10, s7;
	s7 =	smax.u32 s8, $0x1;
	s8 =	sadd.s32 $0xE00, s26  }
0x10: {  	s9 =	simm.s32 $0x5;
	s26 =	simm.s32 $0x300;
	s24 =	sadd.s32 s10, s23  }
0x11: {  	s10 =	simm.s32 $0x32;
	s19 =	sadd.s32 $0x380, s5;
	s20 =	sadd.s32 $0x700, s5  }
0x12: {  	s21 =	sadd.s32 $0xA80, s5;
	s23 =	simm.s32 $0x17000;
	s6 =	sadd.s32 $0x6F200, s24  }
.LBB2_1:
0x13: {  	[tilespmem:s3], [sflag:$0x5] =	stream.linear.gather [hbm4b:s4+s3], $0x10000, $0x38;
	[tilespmem:$0x1E000] =	vst v63  }
0x14: {  	_ =	swait.ge [sflag:s9], $0x10000  }
0x15: {  	[sflag:s9] =	ssyncset.done $0x0  }
0x16: {  	[sflag:s9] =	ssyncadd.s32 $0xFFFF0000  }
0x17: {  	[tilespmem:s11], [sflag:$0x1] =	stream.indirect.gather [hbm4b:s2+s10], $0x80, s3, s10, $0xb8;
	[tilespmem:$0x1E000] =	vst v63  }
0x18: {  	s14 =	simm.s32 $0x80  }
0x19: {  	[tilespmem:s13], [sflag:$0x1] =	stream.indirect.gather [hbm4b:s2+s10], $0x80, s14, s10, $0xb8;
	[tilespmem:$0x1E000] =	vst v63  }
0x1a: {  	s16 =	simm.s32 $0x100  }
0x1b: {  	[tilespmem:s15], [sflag:$0x1] =	stream.indirect.gather [hbm4b:s2+s10], $0x80, s16, s10, $0xb8;
	[tilespmem:$0x1E000] =	vst v63  }
0x1c: {  	s22 =	simm.s32 $0x180  }
0x1d: {  	[tilespmem:s17], [sflag:$0x1] =	stream.indirect.gather [hbm4b:s2+s10], $0x80, s22, s10, $0xb8;
	[tilespmem:$0x1E000] =	vst v63  }
0x1e: {  	_ =	swait.ge [sflag:s18], $0x6400  }
0x1f: {  	[sflag:s18] =	ssyncset.done $0x0  }
0x20: {  	[sflag:s18] =	ssyncadd.s32 $0xFFFF9C00  }
0x21: {  	[hbm4b:s5+s3] =	stream.linear.scatter [tilespmem:s11], [sflag:$0x3], $0x1900, $0x38;
	[tilespmem:$0x1E000] =	vst v63  }
0x22: {  	_ = 	snop  }
0x23: {  	[hbm4b:s19+s3] =	stream.linear.scatter [tilespmem:s13], [sflag:$0x3], $0x1900, $0x38;
	[tilespmem:$0x1E000] =	vst v63  }
0x24: {  	_ = 	snop  }
0x25: {  	[hbm4b:s20+s3] =	stream.linear.scatter [tilespmem:s15], [sflag:$0x3], $0x1900, $0x38;
	[tilespmem:$0x1E000] =	vst v63  }
0x26: {  	_ = 	snop  }
0x27: {  	[hbm4b:s21+s3] =	stream.linear.scatter [tilespmem:s17], [sflag:$0x3], $0x1900, $0x38;
	[tilespmem:$0x1E000] =	vst v63  }
0x28: {  	s24 =	simm.s32 $0x200  }
0x29: {  	[tilespmem:s23], [sflag:$0x2] =	stream.indirect.gather [hbm4b:s2+s10], $0x80, s24, s10, $0xb8;
	[tilespmem:$0x1E000] =	vst v63  }
0x2a: {  	s16 =	simm.s32 $0x280  }
0x2b: {  	[tilespmem:s25], [sflag:$0x2] =	stream.indirect.gather [hbm4b:s2+s10], $0x80, s16, s10, $0xb8;
	[tilespmem:$0x1E000] =	vst v63  }
0x2c: {  	_ = 	snop  }
0x2d: {  	[tilespmem:s28], [sflag:$0x2] =	stream.indirect.gather [hbm4b:s2+s10], $0x80, s26, s10, $0xb8;
	[tilespmem:$0x1E000] =	vst v63  }
0x2e: {  	_ = 	snop  }
0x2f: {  	[tilespmem:s30], [sflag:$0x2] =	stream.indirect.gather [hbm4b:s2+s10], $0x80, s29, s10, $0xb8;
	[tilespmem:$0x1E000] =	vst v63  }
0x30: {  	_ =	swait.ge [sflag:s31], $0x6400  }
0x31: {  	[sflag:s31] =	ssyncset.done $0x0  }
0x32: {  	s22 =	simm.s32 $0x400;
	[sflag:s31] =	ssyncadd.s32 $0xFFFF9C00  }
0x33: {  	[tilespmem:s11], [sflag:$0x1] =	stream.indirect.gather [hbm4b:s2+s10], $0x80, s22, s10, $0xb8;
	[tilespmem:$0x1E000] =	vst v63  }
0x34: {  	s24 =	simm.s32 $0x480  }
0x35: {  	[tilespmem:s13], [sflag:$0x1] =	stream.indirect.gather [hbm4b:s2+s10], $0x80, s24, s10, $0xb8;
	[tilespmem:$0x1E000] =	vst v63  }
0x36: {  	s16 =	simm.s32 $0x500  }
0x37: {  	[tilespmem:s15], [sflag:$0x1] =	stream.indirect.gather [hbm4b:s2+s10], $0x80, s16, s10, $0xb8;
	[tilespmem:$0x1E000] =	vst v63  }
0x38: {  	s22 =	simm.s32 $0x580  }
0x39: {  	[tilespmem:s17], [sflag:$0x1] =	stream.indirect.gather [hbm4b:s2+s10], $0x80, s22, s10, $0xb8;
	[tilespmem:$0x1E000] =	vst v63  }
0x3a: {  	_ =	swait.ge [sflag:s1], $0x6400  }
0x3b: {  	[sflag:s1] =	ssyncset.done $0x0  }
0x3c: {  	[sflag:s1] =	ssyncadd.s32 $0xFFFF9C00  }
0x3d: {  	[hbm4b:s8+s3] =	stream.linear.scatter [tilespmem:s23], [sflag:$0x4], $0x1900, $0x38;
	[tilespmem:$0x1E000] =	vst v63  }
0x3e: {  	s24 =	sadd.s32 $0x380, s8  }
0x3f: {  	[hbm4b:s24+s3] =	stream.linear.scatter [tilespmem:s25], [sflag:$0x4], $0x1900, $0x38;
	[tilespmem:$0x1E000] =	vst v63  }
0x40: {  	s16 =	sadd.s32 $0x700, s8  }
0x41: {  	[hbm4b:s16+s3] =	stream.linear.scatter [tilespmem:s28], [sflag:$0x4], $0x1900, $0x38;
	[tilespmem:$0x1E000] =	vst v63  }
0x42: {  	s22 =	sadd.s32 $0xA80, s8  }
0x43: {  	[hbm4b:s22+s3] =	stream.linear.scatter [tilespmem:s30], [sflag:$0x4], $0x1900, $0x38;
	[tilespmem:$0x1E000] =	vst v63  }
0x44: {  	_ =	swait.ge [sflag:s0], $0x6400  }
0x45: {  	[sflag:s0] =	ssyncset.done $0x0  }
0x46: {  	s24 =	simm.s32 $0x600;
	[sflag:s0] =	ssyncadd.s32 $0xFFFF9C00  }
0x47: {  	[tilespmem:s23], [sflag:$0x2] =	stream.indirect.gather [hbm4b:s2+s10], $0x80, s24, s10, $0xb8;
	[tilespmem:$0x1E000] =	vst v63  }
0x48: {  	s16 =	simm.s32 $0x680  }
0x49: {  	[tilespmem:s25], [sflag:$0x2] =	stream.indirect.gather [hbm4b:s2+s10], $0x80, s16, s10, $0xb8;
	[tilespmem:$0x1E000] =	vst v63  }
0x4a: {  	s22 =	simm.s32 $0x700  }
0x4b: {  	[tilespmem:s28], [sflag:$0x2] =	stream.indirect.gather [hbm4b:s2+s10], $0x80, s22, s10, $0xb8;
	[tilespmem:$0x1E000] =	vst v63  }
0x4c: {  	s24 =	simm.s32 $0x780  }
0x4d: {  	[tilespmem:s30], [sflag:$0x2] =	stream.indirect.gather [hbm4b:s2+s10], $0x80, s24, s10, $0xb8;
	[tilespmem:$0x1E000] =	vst v63  }
0x4e: {  	_ =	swait.ge [sflag:s18], $0x6400  }
0x4f: {  	[sflag:s18] =	ssyncset.done $0x0  }
0x50: {  	s16 =	sadd.s32 $0xE00, s8;
	[sflag:s18] =	ssyncadd.s32 $0xFFFF9C00  }
0x51: {  	[hbm4b:s16+s3] =	stream.linear.scatter [tilespmem:s11], [sflag:$0x3], $0x1900, $0x38;
	[tilespmem:$0x1E000] =	vst v63  }
0x52: {  	s14 =	simm.s32 $0x1000;
	s22 =	sadd.s32 $0x1180, s8  }
0x53: {  	[hbm4b:s22+s3] =	stream.linear.scatter [tilespmem:s13], [sflag:$0x3], $0x1900, $0x38;
	[tilespmem:$0x1E000] =	vst v63  }
0x54: {  	s24 =	sadd.s32 $0x1500, s8;
	s16 =	sadd.s32 $0x1C00, s8;
	s22 =	sadd.s32 $0x1880, s8  }
0x55: {  	[hbm4b:s24+s3] =	stream.linear.scatter [tilespmem:s15], [sflag:$0x3], $0x1900, $0x38;
	[tilespmem:$0x1E000] =	vst v63  }
.LBB2_2:
0x56: {  	[hbm4b:s22+s3] =	stream.linear.scatter [tilespmem:s17], [sflag:$0x3], $0x1900, $0x38;
	[tilespmem:$0x1E000] =	vst v63  }
0x57: {  	s22 =	smov.u32 s14  }
0x58: {  	p0 =	sne.s32 s14, $0x3E000;
	s14 =	sadd.s32 $0x1000, s14;
	_ =	swait.ge [sflag:s31], $0x6400  }
0x59: {  	s22 =	sshra.s32 s22, $0x2;
	[sflag:s31] =	ssyncset.done $0x0  }
0x5a: {  	s24 =	sadd.s32 $0x400, s22;
	[sflag:s31] =	ssyncadd.s32 $0xFFFF9C00  }
0x5b: {  	[tilespmem:s11], [sflag:$0x1] =	stream.indirect.gather [hbm4b:s2+s10], $0x80, s24, s10, $0xb8;
	[tilespmem:$0x1E000] =	vst v63  }
0x5c: {  	s24 =	sadd.s32 $0x480, s22  }
0x5d: {  	[tilespmem:s13], [sflag:$0x1] =	stream.indirect.gather [hbm4b:s2+s10], $0x80, s24, s10, $0xb8;
	[tilespmem:$0x1E000] =	vst v63  }
0x5e: {  	s24 =	sadd.s32 $0x500, s22  }
0x5f: {  	[tilespmem:s15], [sflag:$0x1] =	stream.indirect.gather [hbm4b:s2+s10], $0x80, s24, s10, $0xb8;
	[tilespmem:$0x1E000] =	vst v63  }
0x60: {  	s24 =	sadd.s32 $0x580, s22  }
0x61: {  	[tilespmem:s17], [sflag:$0x1] =	stream.indirect.gather [hbm4b:s2+s10], $0x80, s24, s10, $0xb8;
	[tilespmem:$0x1E000] =	vst v63  }
0x62: {  	_ =	swait.ge [sflag:s1], $0x6400  }
0x63: {  	[sflag:s1] =	ssyncset.done $0x0  }
0x64: {  	[sflag:s1] =	ssyncadd.s32 $0xFFFF9C00  }
0x65: {  	[hbm4b:s16+s3] =	stream.linear.scatter [tilespmem:s23], [sflag:$0x4], $0x1900, $0x38;
	[tilespmem:$0x1E000] =	vst v63  }
0x66: {  	s24 =	sadd.s32 $0x380, s16  }
0x67: {  	[hbm4b:s24+s3] =	stream.linear.scatter [tilespmem:s25], [sflag:$0x4], $0x1900, $0x38;
	[tilespmem:$0x1E000] =	vst v63  }
0x68: {  	s24 =	sadd.s32 $0x700, s16  }
0x69: {  	[hbm4b:s24+s3] =	stream.linear.scatter [tilespmem:s28], [sflag:$0x4], $0x1900, $0x38;
	[tilespmem:$0x1E000] =	vst v63  }
0x6a: {  	s24 =	sadd.s32 $0xA80, s16  }
0x6b: {  	[hbm4b:s24+s3] =	stream.linear.scatter [tilespmem:s30], [sflag:$0x4], $0x1900, $0x38;
	[tilespmem:$0x1E000] =	vst v63  }
0x6c: {  	_ =	swait.ge [sflag:s0], $0x6400  }
0x6d: {  	[sflag:s0] =	ssyncset.done $0x0  }
0x6e: {  	s24 =	sadd.s32 $0x600, s22;
	[sflag:s0] =	ssyncadd.s32 $0xFFFF9C00  }
0x6f: {  	[tilespmem:s23], [sflag:$0x2] =	stream.indirect.gather [hbm4b:s2+s10], $0x80, s24, s10, $0xb8;
	[tilespmem:$0x1E000] =	vst v63  }
0x70: {  	s24 =	sadd.s32 $0x680, s22  }
0x71: {  	[tilespmem:s25], [sflag:$0x2] =	stream.indirect.gather [hbm4b:s2+s10], $0x80, s24, s10, $0xb8;
	[tilespmem:$0x1E000] =	vst v63  }
0x72: {  	s24 =	sadd.s32 $0x700, s22  }
0x73: {  	[tilespmem:s28], [sflag:$0x2] =	stream.indirect.gather [hbm4b:s2+s10], $0x80, s24, s10, $0xb8;
	[tilespmem:$0x1E000] =	vst v63  }
0x74: {  	s22 =	sadd.s32 $0x780, s22  }
0x75: {  	[tilespmem:s30], [sflag:$0x2] =	stream.indirect.gather [hbm4b:s2+s10], $0x80, s22, s10, $0xb8;
	[tilespmem:$0x1E000] =	vst v63  }
0x76: {  	_ =	swait.ge [sflag:s18], $0x6400  }
0x77: {  	[sflag:s18] =	ssyncset.done $0x0  }
0x78: {  	s22 =	sadd.s32 $0xE00, s16;
	[sflag:s18] =	ssyncadd.s32 $0xFFFF9C00  }
0x79: {  	[hbm4b:s22+s3] =	stream.linear.scatter [tilespmem:s11], [sflag:$0x3], $0x1900, $0x38;
	[tilespmem:$0x1E000] =	vst v63  }
.Ltmp0:
0x7a: {  	s22 =	sadd.s32 $0x1180, s16;
	(pc) =	sbr.rel @p0 .LBB2_2-.Ltmp0, $4  }
0x7b: {  	[hbm4b:s22+s3] =	stream.linear.scatter [tilespmem:s13], [sflag:$0x3], $0x1900, $0x38;
	[tilespmem:$0x1E000] =	vst v63  }
0x7c: {  	s22 =	sadd.s32 $0x1500, s16  }
0x7d: {  	[hbm4b:s22+s3] =	stream.linear.scatter [tilespmem:s15], [sflag:$0x3], $0x1900, $0x38;
	[tilespmem:$0x1E000] =	vst v63  }
0x7e: {  	s22 =	sadd.s32 $0x1880, s16;
	s16 =	sadd.s32 $0x1C00, s16  }
0x7f: {  	[hbm4b:s22+s3] =	stream.linear.scatter [tilespmem:s17], [sflag:$0x3], $0x1900, $0x38;
	[tilespmem:$0x1E000] =	vst v63  }
0x80: {  	_ =	swait.ge [sflag:s1], $0x6400  }
0x81: {  	[sflag:s1] =	ssyncset.done $0x0  }
0x82: {  	[sflag:s1] =	ssyncadd.s32 $0xFFFF9C00  }
0x83: {  	[hbm4b:s6+s3] =	stream.linear.scatter [tilespmem:s23], [sflag:$0x4], $0x1900, $0x38;
	[tilespmem:$0x1E000] =	vst v63  }
0x84: {  	s14 =	sadd.s32 $0x380, s6  }
0x85: {  	[hbm4b:s14+s3] =	stream.linear.scatter [tilespmem:s25], [sflag:$0x4], $0x1900, $0x38;
	[tilespmem:$0x1E000] =	vst v63  }
0x86: {  	s22 =	sadd.s32 $0x700, s6  }
0x87: {  	[hbm4b:s22+s3] =	stream.linear.scatter [tilespmem:s28], [sflag:$0x4], $0x1900, $0x38;
	[tilespmem:$0x1E000] =	vst v63  }
0x88: {  	s24 =	sadd.s32 $0xA80, s6;
	s12 =	sadd.s32 $0x1, s12  }
0x89: {  	[hbm4b:s24+s3] =	stream.linear.scatter [tilespmem:s30], [sflag:$0x4], $0x1900, $0x38;
	[tilespmem:$0x1E000] =	vst v63  }
0x8a: {  	p0 =	sne.s32 s12, s7;
	_ =	swait.ge [sflag:s31], $0x6400  }
.Ltmp1:
0x8b: {  	[sflag:s31] =	ssyncset.done $0x0;
	(pc) =	sbr.rel @p0 .LBB2_1-.Ltmp1, $4  }
0x8c: {  	[sflag:s31] =	ssyncadd.s32 $0xFFFF9C00  }
0x8d: {  	_ =	swait.ge [sflag:s0], $0x6400  }
0x8e: {  	[sflag:s0] =	ssyncset.done $0x0  }
0x8f: {  	[sflag:s0] =	ssyncadd.s32 $0xFFFF9C00  }
0x90: {  	_ =	sfence.sel $0x180000  }
0x91: {  	[bflag:$0x0] =	sbarrier.arrive $0xFFFF  }
0x92: {  	_ =	strace $0x90000047  }
0x93: {  	s0 =	stileid.u32;
	[bflag:$0x2] =	sbarrier.arrive $0xFFFF  }
0x94: {  	p0 =	sne.s32 s0, $0x0;
	s0 =	rddreg [dreg:$0x3]  }
0x95: {  	s0 =	sadd.s32 @!p0 $0x100000, s0  }
0x96: {  	[sflag:s0] =	ssyncadd.tile.s32 @!p0 $0x1;
	_ =	shalt  }
.Lfunc_end2:
_tile_overlayer_lowered:
.L_overlay_start_2:
0x97: {  	(tag) =	ssettag $0x2  }
0x98: {  	s0 =	rddreg [dreg:$0x0];
	s2 =	stileid.u32  }
0x99: {  	s1 =	rddreg [dreg:$0x1];
	p0 =	sne.s32 s2, $0x0  }
0x9a: {  	s3 =	rddreg [dreg:$0x2];
	[bflag:$0x3] =	sbarrier.arrive $0xFFFF;
	s2 =	simm.s32 @!p0 $0x1C05  }
0x9b: {  	[timem:s3], [sflag:s2] =	dma.local @!p0 [hbm:s0], s1  }
0x9c: {  	s0 =	simm.s32 @!p0 $0x5  }
0x9d: {  	_ =	swait.ge @!p0 [sflag:s0], s1  }
0x9e: {  	s1 =	ssub.s32 @!p0 $0x0, s1;
	[sflag:s0] =	ssyncset.done @!p0 $0x0  }
0x9f: {  	[sflag:s0] =	ssyncadd.s32 @!p0 s1  }
0xa0: {  	[bflag:$0x3] =	sbarrier.arrive $0xFFFF  }
0xa1: {  	_ =	shalt  }

</sc_bundles>
